<compile_context>
chip_gen: v7x
topology: tpu7x:2x2x1
jax: 0.10.2.dev20260603
libtpu: 0.0.44.dev20260713+nightly
codegen_flags: <defaults>
</compile_context>

<pallas_src>
import functools

import jax
import jax.numpy as jnp
from jax import lax
from jax.experimental import pallas as pl
from jax.experimental.pallas import tpu as pltpu
from jax.experimental.pallas import tpu_sc as plsc

B, L, D = 4096, 200, 128
N = B * L

NW = 32
ROWS_PW = N // NW
C = 32
NBUF = 4
NSTEPS = ROWS_PW // C


@functools.partial(
    pl.kernel,
    mesh=plsc.VectorSubcoreMesh(core_axis_name="c", subcore_axis_name="s"),
    out_type=jax.ShapeDtypeStruct((N, D), jnp.float32),
    scratch_types=[
        pltpu.VMEM((ROWS_PW,), jnp.int32),
        pltpu.VMEM((C, D), jnp.float32),
        pltpu.VMEM((C, D), jnp.float32),
        pltpu.VMEM((C, D), jnp.float32),
        pltpu.VMEM((C, D), jnp.float32),
        pltpu.VMEM_SHARED((2, D), jnp.float32),
        pltpu.SemaphoreType.DMA,
        pltpu.SemaphoreType.DMA,
        pltpu.SemaphoreType.DMA,
        pltpu.SemaphoreType.DMA,
        pltpu.SemaphoreType.DMA,
    ],
)
def _sc_lookup(
    table_hbm, idx_hbm, out_hbm, idx_all, r0, r1, r2, r3, tab_v, sem_g,
    so0, so1, so2, so3,
):
    wid = lax.axis_index("s") * 2 + lax.axis_index("c")
    base = wid * ROWS_PW
    row_bufs = (r0, r1, r2, r3)
    sems_out = (so0, so1, so2, so3)
    pltpu.sync_copy(table_hbm, tab_v)
    pltpu.sync_copy(idx_hbm.at[pl.ds(base, ROWS_PW)], idx_all)

    def start_fill(b, off):
        pltpu.async_copy(
            tab_v.at[idx_all.at[pl.ds(off - base, C)]], row_bufs[b], sem_g
        )

    def wait_fill(b, off):
        pltpu.make_async_copy(
            tab_v.at[idx_all.at[pl.ds(off - base, C)]], row_bufs[b], sem_g
        ).wait()

    def start_store(b, off):
        pltpu.async_copy(row_bufs[b], out_hbm.at[pl.ds(off, C)], sems_out[b])

    def wait_store(b, off):
        pltpu.make_async_copy(
            row_bufs[b], out_hbm.at[pl.ds(off, C)], sems_out[b]
        ).wait()

    start_fill(0, base)
    start_fill(1, base + C)
    for j in (0, 1):
        b = j % NBUF
        wait_fill(b, base + j * C)
        start_store(b, base + j * C)
        start_fill((j + 2) % NBUF, base + (j + 2) * C)

    def step(jj, carry):
        offg = base + jj * NBUF * C
        for k in range(NBUF):
            j_off = offg + (2 + k) * C
            b = (2 + k) % NBUF
            wait_fill(b, j_off)
            start_store(b, j_off)
            b2 = (2 + k + 2) % NBUF
            wait_store(b2, j_off - 2 * C)
            start_fill(b2, j_off + 2 * C)
        return carry

    lax.fori_loop(0, (NSTEPS - 4) // NBUF, step, 0)
    for j in (NSTEPS - 2, NSTEPS - 1):
        b = j % NBUF
        wait_fill(b, base + j * C)
        start_store(b, base + j * C)
    for b in range(NBUF):
        wait_store(b, base + (NSTEPS - NBUF + b) * C)


def kernel(is_target_mask, embedding_weight):
    idx = is_target_mask.astype(jnp.int32).reshape(N)
    out = _sc_lookup(embedding_weight, idx)
    return out.reshape(B, L, D)

# --- scband reference (transcript-rebuilt; emitter-appended) ---
"""Pipeline reference for scband-target-flag-embedding-90580860273189 (READ-ONLY COPY).

The authoritative reference and input builder live on the scoring server;
editing this copy changes nothing except your own understanding.
"""

import jax, jax.numpy as jnp
import numpy as np

B, L, D_MODEL = 4096, 200, 128

def setup_inputs(seed: int = 0) -> dict:
    key = jax.random.key(seed)
    k_mask, k_emb = jax.random.split(key)
    is_target_mask = jax.random.randint(k_mask, (B, L), 0, 2).astype(jnp.bool_)
    # nn.Embedding(2, d_model) weight ~ N(0, 1)
    embedding_weight = jax.random.normal(k_emb, (2, D_MODEL), dtype=jnp.float32)
    return {"is_target_mask": is_target_mask, "embedding_weight": embedding_weight}

def reference(is_target_mask, embedding_weight):
    if is_target_mask.ndim != 2:
        raise ValueError(f'TargetFlagEmbedding espera is_target_mask 2D [B, L], pero recibio {is_target_mask.shape}.')
    indices = is_target_mask.astype(jnp.int32)
    out = jnp.take(embedding_weight, indices, axis=0)
    return out

if __name__ == "__main__":
    import jax
    _d = setup_inputs()
    print(jax.jit(kernel)(*tuple(_d.values())))

</pallas_src>

<mosaic_0001>
#map = affine_map<(d0, d1) -> (0, 0)>
#map1 = affine_map<(d0, d1) -> (0)>
module attributes {stable_mosaic.version = 14 : i64} {
  func.func @_sc_lookup(%arg0: i32, %arg1: i32, %arg2: memref<2x128xf32, #tpu.memory_space<hbm>>, %arg3: memref<819200xi32, #tpu.memory_space<hbm>>, %arg4: memref<819200x128xf32, #tpu.memory_space<hbm>>, %arg5: memref<25600xi32, #tpu.memory_space<vmem>>, %arg6: memref<32x128xf32, #tpu.memory_space<vmem>>, %arg7: memref<32x128xf32, #tpu.memory_space<vmem>>, %arg8: memref<32x128xf32, #tpu.memory_space<vmem>>, %arg9: memref<32x128xf32, #tpu.memory_space<vmem>>, %arg10: memref<2x128xf32, #tpu.memory_space<vmem_shared>>, %arg11: memref<!tpu.dma_semaphore, #tpu.memory_space<semaphore_mem>>, %arg12: memref<!tpu.dma_semaphore, #tpu.memory_space<semaphore_mem>>, %arg13: memref<!tpu.dma_semaphore, #tpu.memory_space<semaphore_mem>>, %arg14: memref<!tpu.dma_semaphore, #tpu.memory_space<semaphore_mem>>, %arg15: memref<!tpu.dma_semaphore, #tpu.memory_space<semaphore_mem>>) attributes {dimension_semantics = [#tpu.dimension_semantics<core_parallel>, #tpu.dimension_semantics<subcore_parallel>], iteration_bounds = array<i64: 2, 16>, scalar_prefetch = 0 : i64, scratch_operands = 11 : i64, tpu.core_type = #tpu.core_type<sc_vector_subcore>, window_params = [{transform_indices = #map}, {transform_indices = #map1}, {transform_indices = #map}]} {
    %mul3A = arith.constant 2 : i32
    %mul3A_0 = arith.muli %arg1, %mul3A : i32
    %add3A = arith.addi %mul3A_0, %arg0 : i32
    %mul3A_1 = arith.constant 25600 : i32
    %mul3A_2 = arith.muli %add3A, %mul3A_1 : i32
    "tpu.region"() ({
      %run_scoped3A = tpu.sem_alloc : memref<!tpu.dma_semaphore, #tpu.memory_space<semaphore_mem>>
      tpu.enqueue_dma source(%arg2 : memref<2x128xf32, #tpu.memory_space<hbm>>) target(%arg10 : memref<2x128xf32, #tpu.memory_space<vmem_shared>>) target_semaphore(%run_scoped3A : memref<!tpu.dma_semaphore, #tpu.memory_space<semaphore_mem>>)
      tpu.wait_dma2 semaphore(%run_scoped3A : memref<!tpu.dma_semaphore, #tpu.memory_space<semaphore_mem>>) src(%arg2 : memref<2x128xf32, #tpu.memory_space<hbm>>) dst(%arg10 : memref<2x128xf32, #tpu.memory_space<vmem_shared>>)
      tpu.yield
    }) : () -> ()
    "tpu.region"() ({
      %run_scoped3A = tpu.sem_alloc : memref<!tpu.dma_semaphore, #tpu.memory_space<semaphore_mem>>
      %dma_start3A_107 = tpu.memref_slice %arg3[%mul3A_2] : memref<819200xi32, #tpu.memory_space<hbm>> -> memref<25600xi32, #tpu.memory_space<hbm>>
      %dma_start3A_108 = tpu.memref_slice %arg3[%mul3A_2] : memref<819200xi32, #tpu.memory_space<hbm>> -> memref<25600xi32, #tpu.memory_space<hbm>>
      tpu.enqueue_dma source(%dma_start3A_108 : memref<25600xi32, #tpu.memory_space<hbm>>) target(%arg5 : memref<25600xi32, #tpu.memory_space<vmem>>) target_semaphore(%run_scoped3A : memref<!tpu.dma_semaphore, #tpu.memory_space<semaphore_mem>>)
      %dma_wait3A_109 = tpu.memref_slice %arg3[%mul3A_2] : memref<819200xi32, #tpu.memory_space<hbm>> -> memref<25600xi32, #tpu.memory_space<hbm>>
      %dma_wait3A_110 = tpu.memref_slice %arg3[%mul3A_2] : memref<819200xi32, #tpu.memory_space<hbm>> -> memref<25600xi32, #tpu.memory_space<hbm>>
      tpu.wait_dma2 semaphore(%run_scoped3A : memref<!tpu.dma_semaphore, #tpu.memory_space<semaphore_mem>>) src(%dma_wait3A_110 : memref<25600xi32, #tpu.memory_space<hbm>>) dst(%arg5 : memref<25600xi32, #tpu.memory_space<vmem>>)
      tpu.yield
    }) : () -> ()
    %sub3A = arith.subi %mul3A_2, %mul3A_2 : i32
    %dma_start3A = tpu.memref_slice %arg5[%sub3A] : memref<25600xi32, #tpu.memory_space<vmem>> -> memref<32xi32, #tpu.memory_space<vmem>>
    %dma_start3A_3 = arith.constant 0 : i32
    %dma_start3A_4 = arith.constant 0 : i32
    %dma_start3A_5 = tpu.memref_slice %arg10[%dma_start3A_3, %dma_start3A_4] : memref<2x128xf32, #tpu.memory_space<vmem_shared>> -> memref<2x128xf32, #tpu.memory_space<vmem_shared>>
    tpu.enqueue_indirect_dma source(%dma_start3A_5 : memref<2x128xf32, #tpu.memory_space<vmem_shared>>) target(%arg6 : memref<32x128xf32, #tpu.memory_space<vmem>>) offsets(%dma_start3A : memref<32xi32, #tpu.memory_space<vmem>>) semaphore(%arg11 : memref<!tpu.dma_semaphore, #tpu.memory_space<semaphore_mem>>)
    %add3A_6 = arith.constant 32 : i32
    %add3A_7 = arith.addi %mul3A_2, %add3A_6 : i32
    %sub3A_8 = arith.subi %add3A_7, %mul3A_2 : i32
    %dma_start3A_9 = tpu.memref_slice %arg5[%sub3A_8] : memref<25600xi32, #tpu.memory_space<vmem>> -> memref<32xi32, #tpu.memory_space<vmem>>
    %dma_start3A_10 = arith.constant 0 : i32
    %dma_start3A_11 = arith.constant 0 : i32
    %dma_start3A_12 = tpu.memref_slice %arg10[%dma_start3A_10, %dma_start3A_11] : memref<2x128xf32, #tpu.memory_space<vmem_shared>> -> memref<2x128xf32, #tpu.memory_space<vmem_shared>>
    tpu.enqueue_indirect_dma source(%dma_start3A_12 : memref<2x128xf32, #tpu.memory_space<vmem_shared>>) target(%arg7 : memref<32x128xf32, #tpu.memory_space<vmem>>) offsets(%dma_start3A_9 : memref<32xi32, #tpu.memory_space<vmem>>) semaphore(%arg11 : memref<!tpu.dma_semaphore, #tpu.memory_space<semaphore_mem>>)
    %add3A_13 = arith.constant 0 : i32
    %add3A_14 = arith.addi %mul3A_2, %add3A_13 : i32
    %sub3A_15 = arith.subi %add3A_14, %mul3A_2 : i32
    %dma_wait3A = tpu.memref_slice %arg5[%sub3A_15] : memref<25600xi32, #tpu.memory_space<vmem>> -> memref<32xi32, #tpu.memory_space<vmem>>
    %dma_wait3A_16 = arith.constant 0 : i32
    %dma_wait3A_17 = arith.constant 0 : i32
    %dma_wait3A_18 = tpu.memref_slice %arg10[%dma_wait3A_16, %dma_wait3A_17] : memref<2x128xf32, #tpu.memory_space<vmem_shared>> -> memref<2x128xf32, #tpu.memory_space<vmem_shared>>
    tpu.wait_indirect_dma semaphore(%arg11 : memref<!tpu.dma_semaphore, #tpu.memory_space<semaphore_mem>>) src(%dma_wait3A_18 : memref<2x128xf32, #tpu.memory_space<vmem_shared>>) dst(%arg6 : memref<32x128xf32, #tpu.memory_space<vmem>>)
    %add3A_19 = arith.constant 0 : i32
    %add3A_20 = arith.addi %mul3A_2, %add3A_19 : i32
    %dma_start3A_21 = arith.constant 0 : i32
    %dma_start3A_22 = tpu.memref_slice %arg4[%add3A_20, %dma_start3A_21] : memref<819200x128xf32, #tpu.memory_space<hbm>> -> memref<32x128xf32, #tpu.memory_space<hbm>>
    %dma_start3A_23 = arith.constant 0 : i32
    %dma_start3A_24 = tpu.memref_slice %arg4[%add3A_20, %dma_start3A_23] : memref<819200x128xf32, #tpu.memory_space<hbm>> -> memref<32x128xf32, #tpu.memory_space<hbm>>
    tpu.enqueue_dma source(%arg6 : memref<32x128xf32, #tpu.memory_space<vmem>>) target(%dma_start3A_24 : memref<32x128xf32, #tpu.memory_space<hbm>>) target_semaphore(%arg12 : memref<!tpu.dma_semaphore, #tpu.memory_space<semaphore_mem>>)
    %add3A_25 = arith.constant 64 : i32
    %add3A_26 = arith.addi %mul3A_2, %add3A_25 : i32
    %sub3A_27 = arith.subi %add3A_26, %mul3A_2 : i32
    %dma_start3A_28 = tpu.memref_slice %arg5[%sub3A_27] : memref<25600xi32, #tpu.memory_space<vmem>> -> memref<32xi32, #tpu.memory_space<vmem>>
    %dma_start3A_29 = arith.constant 0 : i32
    %dma_start3A_30 = arith.constant 0 : i32
    %dma_start3A_31 = tpu.memref_slice %arg10[%dma_start3A_29, %dma_start3A_30] : memref<2x128xf32, #tpu.memory_space<vmem_shared>> -> memref<2x128xf32, #tpu.memory_space<vmem_shared>>
    tpu.enqueue_indirect_dma source(%dma_start3A_31 : memref<2x128xf32, #tpu.memory_space<vmem_shared>>) target(%arg8 : memref<32x128xf32, #tpu.memory_space<vmem>>) offsets(%dma_start3A_28 : memref<32xi32, #tpu.memory_space<vmem>>) semaphore(%arg11 : memref<!tpu.dma_semaphore, #tpu.memory_space<semaphore_mem>>)
    %add3A_32 = arith.constant 32 : i32
    %add3A_33 = arith.addi %mul3A_2, %add3A_32 : i32
    %sub3A_34 = arith.subi %add3A_33, %mul3A_2 : i32
    %dma_wait3A_35 = tpu.memref_slice %arg5[%sub3A_34] : memref<25600xi32, #tpu.memory_space<vmem>> -> memref<32xi32, #tpu.memory_space<vmem>>
    %dma_wait3A_36 = arith.constant 0 : i32
    %dma_wait3A_37 = arith.constant 0 : i32
    %dma_wait3A_38 = tpu.memref_slice %arg10[%dma_wait3A_36, %dma_wait3A_37] : memref<2x128xf32, #tpu.memory_space<vmem_shared>> -> memref<2x128xf32, #tpu.memory_space<vmem_shared>>
    tpu.wait_indirect_dma semaphore(%arg11 : memref<!tpu.dma_semaphore, #tpu.memory_space<semaphore_mem>>) src(%dma_wait3A_38 : memref<2x128xf32, #tpu.memory_space<vmem_shared>>) dst(%arg7 : memref<32x128xf32, #tpu.memory_space<vmem>>)
    %add3A_39 = arith.constant 32 : i32
    %add3A_40 = arith.addi %mul3A_2, %add3A_39 : i32
    %dma_start3A_41 = arith.constant 0 : i32
    %dma_start3A_42 = tpu.memref_slice %arg4[%add3A_40, %dma_start3A_41] : memref<819200x128xf32, #tpu.memory_space<hbm>> -> memref<32x128xf32, #tpu.memory_space<hbm>>
    %dma_start3A_43 = arith.constant 0 : i32
    %dma_start3A_44 = tpu.memref_slice %arg4[%add3A_40, %dma_start3A_43] : memref<819200x128xf32, #tpu.memory_space<hbm>> -> memref<32x128xf32, #tpu.memory_space<hbm>>
    tpu.enqueue_dma source(%arg7 : memref<32x128xf32, #tpu.memory_space<vmem>>) target(%dma_start3A_44 : memref<32x128xf32, #tpu.memory_space<hbm>>) target_semaphore(%arg13 : memref<!tpu.dma_semaphore, #tpu.memory_space<semaphore_mem>>)
    %add3A_45 = arith.constant 96 : i32
    %add3A_46 = arith.addi %mul3A_2, %add3A_45 : i32
    %sub3A_47 = arith.subi %add3A_46, %mul3A_2 : i32
    %dma_start3A_48 = tpu.memref_slice %arg5[%sub3A_47] : memref<25600xi32, #tpu.memory_space<vmem>> -> memref<32xi32, #tpu.memory_space<vmem>>
    %dma_start3A_49 = arith.constant 0 : i32
    %dma_start3A_50 = arith.constant 0 : i32
    %dma_start3A_51 = tpu.memref_slice %arg10[%dma_start3A_49, %dma_start3A_50] : memref<2x128xf32, #tpu.memory_space<vmem_shared>> -> memref<2x128xf32, #tpu.memory_space<vmem_shared>>
    tpu.enqueue_indirect_dma source(%dma_start3A_51 : memref<2x128xf32, #tpu.memory_space<vmem_shared>>) target(%arg9 : memref<32x128xf32, #tpu.memory_space<vmem>>) offsets(%dma_start3A_48 : memref<32xi32, #tpu.memory_space<vmem>>) semaphore(%arg11 : memref<!tpu.dma_semaphore, #tpu.memory_space<semaphore_mem>>)
    %scan3A = arith.constant 0 : i32
    %scan3A_52 = arith.constant 0 : i32
    %scan3A_53 = arith.constant 199 : i32
    %scan3A_54 = arith.addi %scan3A_52, %scan3A_53 : i32
    %scan3A_55 = arith.constant 1 : i32
    scf.for %scan3A_107 = %scan3A_52 to %scan3A_54 step %scan3A_55  : i32 {
      %mul3A_108 = arith.constant 4 : i32
      %mul3A_109 = arith.muli %scan3A_107, %mul3A_108 : i32
      %mul3A_110 = arith.constant 32 : i32
      %mul3A_111 = arith.muli %mul3A_109, %mul3A_110 : i32
      %add3A_112 = arith.addi %mul3A_2, %mul3A_111 : i32
      %add3A_113 = arith.constant 64 : i32
      %add3A_114 = arith.addi %add3A_112, %add3A_113 : i32
      %sub3A_115 = arith.subi %add3A_114, %mul3A_2 : i32
      %dma_wait3A_116 = tpu.memref_slice %arg5[%sub3A_115] : memref<25600xi32, #tpu.memory_space<vmem>> -> memref<32xi32, #tpu.memory_space<vmem>>
      %dma_wait3A_117 = arith.constant 0 : i32
      %dma_wait3A_118 = arith.constant 0 : i32
      %dma_wait3A_119 = tpu.memref_slice %arg10[%dma_wait3A_117, %dma_wait3A_118] : memref<2x128xf32, #tpu.memory_space<vmem_shared>> -> memref<2x128xf32, #tpu.memory_space<vmem_shared>>
      tpu.wait_indirect_dma semaphore(%arg11 : memref<!tpu.dma_semaphore, #tpu.memory_space<semaphore_mem>>) src(%dma_wait3A_119 : memref<2x128xf32, #tpu.memory_space<vmem_shared>>) dst(%arg8 : memref<32x128xf32, #tpu.memory_space<vmem>>)
      %dma_start3A_120 = arith.constant 0 : i32
      %dma_start3A_121 = tpu.memref_slice %arg4[%add3A_114, %dma_start3A_120] : memref<819200x128xf32, #tpu.memory_space<hbm>> -> memref<32x128xf32, #tpu.memory_space<hbm>>
      %dma_start3A_122 = arith.constant 0 : i32
      %dma_start3A_123 = tpu.memref_slice %arg4[%add3A_114, %dma_start3A_122] : memref<819200x128xf32, #tpu.memory_space<hbm>> -> memref<32x128xf32, #tpu.memory_space<hbm>>
      tpu.enqueue_dma source(%arg8 : memref<32x128xf32, #tpu.memory_space<vmem>>) target(%dma_start3A_123 : memref<32x128xf32, #tpu.memory_space<hbm>>) target_semaphore(%arg14 : memref<!tpu.dma_semaphore, #tpu.memory_space<semaphore_mem>>)
      %sub3A_124 = arith.constant 64 : i32
      %sub3A_125 = arith.subi %add3A_114, %sub3A_124 : i32
      %dma_wait3A_126 = arith.constant 0 : i32
      %dma_wait3A_127 = tpu.memref_slice %arg4[%sub3A_125, %dma_wait3A_126] : memref<819200x128xf32, #tpu.memory_space<hbm>> -> memref<32x128xf32, #tpu.memory_space<hbm>>
      %dma_wait3A_128 = arith.constant 0 : i32
      %dma_wait3A_129 = tpu.memref_slice %arg4[%sub3A_125, %dma_wait3A_128] : memref<819200x128xf32, #tpu.memory_space<hbm>> -> memref<32x128xf32, #tpu.memory_space<hbm>>
      tpu.wait_dma2 semaphore(%arg12 : memref<!tpu.dma_semaphore, #tpu.memory_space<semaphore_mem>>) src(%arg6 : memref<32x128xf32, #tpu.memory_space<vmem>>) dst(%dma_wait3A_129 : memref<32x128xf32, #tpu.memory_space<hbm>>)
      %add3A_130 = arith.constant 64 : i32
      %add3A_131 = arith.addi %add3A_114, %add3A_130 : i32
      %sub3A_132 = arith.subi %add3A_131, %mul3A_2 : i32
      %dma_start3A_133 = tpu.memref_slice %arg5[%sub3A_132] : memref<25600xi32, #tpu.memory_space<vmem>> -> memref<32xi32, #tpu.memory_space<vmem>>
      %dma_start3A_134 = arith.constant 0 : i32
      %dma_start3A_135 = arith.constant 0 : i32
      %dma_start3A_136 = tpu.memref_slice %arg10[%dma_start3A_134, %dma_start3A_135] : memref<2x128xf32, #tpu.memory_space<vmem_shared>> -> memref<2x128xf32, #tpu.memory_space<vmem_shared>>
      tpu.enqueue_indirect_dma source(%dma_start3A_136 : memref<2x128xf32, #tpu.memory_space<vmem_shared>>) target(%arg6 : memref<32x128xf32, #tpu.memory_space<vmem>>) offsets(%dma_start3A_133 : memref<32xi32, #tpu.memory_space<vmem>>) semaphore(%arg11 : memref<!tpu.dma_semaphore, #tpu.memory_space<semaphore_mem>>)
      %add3A_137 = arith.constant 96 : i32
      %add3A_138 = arith.addi %add3A_112, %add3A_137 : i32
      %sub3A_139 = arith.subi %add3A_138, %mul3A_2 : i32
      %dma_wait3A_140 = tpu.memref_slice %arg5[%sub3A_139] : memref<25600xi32, #tpu.memory_space<vmem>> -> memref<32xi32, #tpu.memory_space<vmem>>
      %dma_wait3A_141 = arith.constant 0 : i32
      %dma_wait3A_142 = arith.constant 0 : i32
      %dma_wait3A_143 = tpu.memref_slice %arg10[%dma_wait3A_141, %dma_wait3A_142] : memref<2x128xf32, #tpu.memory_space<vmem_shared>> -> memref<2x128xf32, #tpu.memory_space<vmem_shared>>
      tpu.wait_indirect_dma semaphore(%arg11 : memref<!tpu.dma_semaphore, #tpu.memory_space<semaphore_mem>>) src(%dma_wait3A_143 : memref<2x128xf32, #tpu.memory_space<vmem_shared>>) dst(%arg9 : memref<32x128xf32, #tpu.memory_space<vmem>>)
      %dma_start3A_144 = arith.constant 0 : i32
      %dma_start3A_145 = tpu.memref_slice %arg4[%add3A_138, %dma_start3A_144] : memref<819200x128xf32, #tpu.memory_space<hbm>> -> memref<32x128xf32, #tpu.memory_space<hbm>>
      %dma_start3A_146 = arith.constant 0 : i32
      %dma_start3A_147 = tpu.memref_slice %arg4[%add3A_138, %dma_start3A_146] : memref<819200x128xf32, #tpu.memory_space<hbm>> -> memref<32x128xf32, #tpu.memory_space<hbm>>
      tpu.enqueue_dma source(%arg9 : memref<32x128xf32, #tpu.memory_space<vmem>>) target(%dma_start3A_147 : memref<32x128xf32, #tpu.memory_space<hbm>>) target_semaphore(%arg15 : memref<!tpu.dma_semaphore, #tpu.memory_space<semaphore_mem>>)
      %sub3A_148 = arith.constant 64 : i32
      %sub3A_149 = arith.subi %add3A_138, %sub3A_148 : i32
      %dma_wait3A_150 = arith.constant 0 : i32
      %dma_wait3A_151 = tpu.memref_slice %arg4[%sub3A_149, %dma_wait3A_150] : memref<819200x128xf32, #tpu.memory_space<hbm>> -> memref<32x128xf32, #tpu.memory_space<hbm>>
      %dma_wait3A_152 = arith.constant 0 : i32
      %dma_wait3A_153 = tpu.memref_slice %arg4[%sub3A_149, %dma_wait3A_152] : memref<819200x128xf32, #tpu.memory_space<hbm>> -> memref<32x128xf32, #tpu.memory_space<hbm>>
      tpu.wait_dma2 semaphore(%arg13 : memref<!tpu.dma_semaphore, #tpu.memory_space<semaphore_mem>>) src(%arg7 : memref<32x128xf32, #tpu.memory_space<vmem>>) dst(%dma_wait3A_153 : memref<32x128xf32, #tpu.memory_space<hbm>>)
      %add3A_154 = arith.constant 64 : i32
      %add3A_155 = arith.addi %add3A_138, %add3A_154 : i32
      %sub3A_156 = arith.subi %add3A_155, %mul3A_2 : i32
      %dma_start3A_157 = tpu.memref_slice %arg5[%sub3A_156] : memref<25600xi32, #tpu.memory_space<vmem>> -> memref<32xi32, #tpu.memory_space<vmem>>
      %dma_start3A_158 = arith.constant 0 : i32
      %dma_start3A_159 = arith.constant 0 : i32
      %dma_start3A_160 = tpu.memref_slice %arg10[%dma_start3A_158, %dma_start3A_159] : memref<2x128xf32, #tpu.memory_space<vmem_shared>> -> memref<2x128xf32, #tpu.memory_space<vmem_shared>>
      tpu.enqueue_indirect_dma source(%dma_start3A_160 : memref<2x128xf32, #tpu.memory_space<vmem_shared>>) target(%arg7 : memref<32x128xf32, #tpu.memory_space<vmem>>) offsets(%dma_start3A_157 : memref<32xi32, #tpu.memory_space<vmem>>) semaphore(%arg11 : memref<!tpu.dma_semaphore, #tpu.memory_space<semaphore_mem>>)
      %add3A_161 = arith.constant 128 : i32
      %add3A_162 = arith.addi %add3A_112, %add3A_161 : i32
      %sub3A_163 = arith.subi %add3A_162, %mul3A_2 : i32
      %dma_wait3A_164 = tpu.memref_slice %arg5[%sub3A_163] : memref<25600xi32, #tpu.memory_space<vmem>> -> memref<32xi32, #tpu.memory_space<vmem>>
      %dma_wait3A_165 = arith.constant 0 : i32
      %dma_wait3A_166 = arith.constant 0 : i32
      %dma_wait3A_167 = tpu.memref_slice %arg10[%dma_wait3A_165, %dma_wait3A_166] : memref<2x128xf32, #tpu.memory_space<vmem_shared>> -> memref<2x128xf32, #tpu.memory_space<vmem_shared>>
      tpu.wait_indirect_dma semaphore(%arg11 : memref<!tpu.dma_semaphore, #tpu.memory_space<semaphore_mem>>) src(%dma_wait3A_167 : memref<2x128xf32, #tpu.memory_space<vmem_shared>>) dst(%arg6 : memref<32x128xf32, #tpu.memory_space<vmem>>)
      %dma_start3A_168 = arith.constant 0 : i32
      %dma_start3A_169 = tpu.memref_slice %arg4[%add3A_162, %dma_start3A_168] : memref<819200x128xf32, #tpu.memory_space<hbm>> -> memref<32x128xf32, #tpu.memory_space<hbm>>
      %dma_start3A_170 = arith.constant 0 : i32
      %dma_start3A_171 = tpu.memref_slice %arg4[%add3A_162, %dma_start3A_170] : memref<819200x128xf32, #tpu.memory_space<hbm>> -> memref<32x128xf32, #tpu.memory_space<hbm>>
      tpu.enqueue_dma source(%arg6 : memref<32x128xf32, #tpu.memory_space<vmem>>) target(%dma_start3A_171 : memref<32x128xf32, #tpu.memory_space<hbm>>) target_semaphore(%arg12 : memref<!tpu.dma_semaphore, #tpu.memory_space<semaphore_mem>>)
      %sub3A_172 = arith.constant 64 : i32
      %sub3A_173 = arith.subi %add3A_162, %sub3A_172 : i32
      %dma_wait3A_174 = arith.constant 0 : i32
      %dma_wait3A_175 = tpu.memref_slice %arg4[%sub3A_173, %dma_wait3A_174] : memref<819200x128xf32, #tpu.memory_space<hbm>> -> memref<32x128xf32, #tpu.memory_space<hbm>>
      %dma_wait3A_176 = arith.constant 0 : i32
      %dma_wait3A_177 = tpu.memref_slice %arg4[%sub3A_173, %dma_wait3A_176] : memref<819200x128xf32, #tpu.memory_space<hbm>> -> memref<32x128xf32, #tpu.memory_space<hbm>>
      tpu.wait_dma2 semaphore(%arg14 : memref<!tpu.dma_semaphore, #tpu.memory_space<semaphore_mem>>) src(%arg8 : memref<32x128xf32, #tpu.memory_space<vmem>>) dst(%dma_wait3A_177 : memref<32x128xf32, #tpu.memory_space<hbm>>)
      %add3A_178 = arith.constant 64 : i32
      %add3A_179 = arith.addi %add3A_162, %add3A_178 : i32
      %sub3A_180 = arith.subi %add3A_179, %mul3A_2 : i32
      %dma_start3A_181 = tpu.memref_slice %arg5[%sub3A_180] : memref<25600xi32, #tpu.memory_space<vmem>> -> memref<32xi32, #tpu.memory_space<vmem>>
      %dma_start3A_182 = arith.constant 0 : i32
      %dma_start3A_183 = arith.constant 0 : i32
      %dma_start3A_184 = tpu.memref_slice %arg10[%dma_start3A_182, %dma_start3A_183] : memref<2x128xf32, #tpu.memory_space<vmem_shared>> -> memref<2x128xf32, #tpu.memory_space<vmem_shared>>
      tpu.enqueue_indirect_dma source(%dma_start3A_184 : memref<2x128xf32, #tpu.memory_space<vmem_shared>>) target(%arg8 : memref<32x128xf32, #tpu.memory_space<vmem>>) offsets(%dma_start3A_181 : memref<32xi32, #tpu.memory_space<vmem>>) semaphore(%arg11 : memref<!tpu.dma_semaphore, #tpu.memory_space<semaphore_mem>>)
      %add3A_185 = arith.constant 160 : i32
      %add3A_186 = arith.addi %add3A_112, %add3A_185 : i32
      %sub3A_187 = arith.subi %add3A_186, %mul3A_2 : i32
      %dma_wait3A_188 = tpu.memref_slice %arg5[%sub3A_187] : memref<25600xi32, #tpu.memory_space<vmem>> -> memref<32xi32, #tpu.memory_space<vmem>>
      %dma_wait3A_189 = arith.constant 0 : i32
      %dma_wait3A_190 = arith.constant 0 : i32
      %dma_wait3A_191 = tpu.memref_slice %arg10[%dma_wait3A_189, %dma_wait3A_190] : memref<2x128xf32, #tpu.memory_space<vmem_shared>> -> memref<2x128xf32, #tpu.memory_space<vmem_shared>>
      tpu.wait_indirect_dma semaphore(%arg11 : memref<!tpu.dma_semaphore, #tpu.memory_space<semaphore_mem>>) src(%dma_wait3A_191 : memref<2x128xf32, #tpu.memory_space<vmem_shared>>) dst(%arg7 : memref<32x128xf32, #tpu.memory_space<vmem>>)
      %dma_start3A_192 = arith.constant 0 : i32
      %dma_start3A_193 = tpu.memref_slice %arg4[%add3A_186, %dma_start3A_192] : memref<819200x128xf32, #tpu.memory_space<hbm>> -> memref<32x128xf32, #tpu.memory_space<hbm>>
      %dma_start3A_194 = arith.constant 0 : i32
      %dma_start3A_195 = tpu.memref_slice %arg4[%add3A_186, %dma_start3A_194] : memref<819200x128xf32, #tpu.memory_space<hbm>> -> memref<32x128xf32, #tpu.memory_space<hbm>>
      tpu.enqueue_dma source(%arg7 : memref<32x128xf32, #tpu.memory_space<vmem>>) target(%dma_start3A_195 : memref<32x128xf32, #tpu.memory_space<hbm>>) target_semaphore(%arg13 : memref<!tpu.dma_semaphore, #tpu.memory_space<semaphore_mem>>)
      %sub3A_196 = arith.constant 64 : i32
      %sub3A_197 = arith.subi %add3A_186, %sub3A_196 : i32
      %dma_wait3A_198 = arith.constant 0 : i32
      %dma_wait3A_199 = tpu.memref_slice %arg4[%sub3A_197, %dma_wait3A_198] : memref<819200x128xf32, #tpu.memory_space<hbm>> -> memref<32x128xf32, #tpu.memory_space<hbm>>
      %dma_wait3A_200 = arith.constant 0 : i32
      %dma_wait3A_201 = tpu.memref_slice %arg4[%sub3A_197, %dma_wait3A_200] : memref<819200x128xf32, #tpu.memory_space<hbm>> -> memref<32x128xf32, #tpu.memory_space<hbm>>
      tpu.wait_dma2 semaphore(%arg15 : memref<!tpu.dma_semaphore, #tpu.memory_space<semaphore_mem>>) src(%arg9 : memref<32x128xf32, #tpu.memory_space<vmem>>) dst(%dma_wait3A_201 : memref<32x128xf32, #tpu.memory_space<hbm>>)
      %add3A_202 = arith.constant 64 : i32
      %add3A_203 = arith.addi %add3A_186, %add3A_202 : i32
      %sub3A_204 = arith.subi %add3A_203, %mul3A_2 : i32
      %dma_start3A_205 = tpu.memref_slice %arg5[%sub3A_204] : memref<25600xi32, #tpu.memory_space<vmem>> -> memref<32xi32, #tpu.memory_space<vmem>>
      %dma_start3A_206 = arith.constant 0 : i32
      %dma_start3A_207 = arith.constant 0 : i32
      %dma_start3A_208 = tpu.memref_slice %arg10[%dma_start3A_206, %dma_start3A_207] : memref<2x128xf32, #tpu.memory_space<vmem_shared>> -> memref<2x128xf32, #tpu.memory_space<vmem_shared>>
      tpu.enqueue_indirect_dma source(%dma_start3A_208 : memref<2x128xf32, #tpu.memory_space<vmem_shared>>) target(%arg9 : memref<32x128xf32, #tpu.memory_space<vmem>>) offsets(%dma_start3A_205 : memref<32xi32, #tpu.memory_space<vmem>>) semaphore(%arg11 : memref<!tpu.dma_semaphore, #tpu.memory_space<semaphore_mem>>)
    }
    %scan3A_56 = arith.constant 199 : i32
    %add3A_57 = arith.constant 25536 : i32
    %add3A_58 = arith.addi %mul3A_2, %add3A_57 : i32
    %sub3A_59 = arith.subi %add3A_58, %mul3A_2 : i32
    %dma_wait3A_60 = tpu.memref_slice %arg5[%sub3A_59] : memref<25600xi32, #tpu.memory_space<vmem>> -> memref<32xi32, #tpu.memory_space<vmem>>
    %dma_wait3A_61 = arith.constant 0 : i32
    %dma_wait3A_62 = arith.constant 0 : i32
    %dma_wait3A_63 = tpu.memref_slice %arg10[%dma_wait3A_61, %dma_wait3A_62] : memref<2x128xf32, #tpu.memory_space<vmem_shared>> -> memref<2x128xf32, #tpu.memory_space<vmem_shared>>
    tpu.wait_indirect_dma semaphore(%arg11 : memref<!tpu.dma_semaphore, #tpu.memory_space<semaphore_mem>>) src(%dma_wait3A_63 : memref<2x128xf32, #tpu.memory_space<vmem_shared>>) dst(%arg8 : memref<32x128xf32, #tpu.memory_space<vmem>>)
    %add3A_64 = arith.constant 25536 : i32
    %add3A_65 = arith.addi %mul3A_2, %add3A_64 : i32
    %dma_start3A_66 = arith.constant 0 : i32
    %dma_start3A_67 = tpu.memref_slice %arg4[%add3A_65, %dma_start3A_66] : memref<819200x128xf32, #tpu.memory_space<hbm>> -> memref<32x128xf32, #tpu.memory_space<hbm>>
    %dma_start3A_68 = arith.constant 0 : i32
    %dma_start3A_69 = tpu.memref_slice %arg4[%add3A_65, %dma_start3A_68] : memref<819200x128xf32, #tpu.memory_space<hbm>> -> memref<32x128xf32, #tpu.memory_space<hbm>>
    tpu.enqueue_dma source(%arg8 : memref<32x128xf32, #tpu.memory_space<vmem>>) target(%dma_start3A_69 : memref<32x128xf32, #tpu.memory_space<hbm>>) target_semaphore(%arg14 : memref<!tpu.dma_semaphore, #tpu.memory_space<semaphore_mem>>)
    %add3A_70 = arith.constant 25568 : i32
    %add3A_71 = arith.addi %mul3A_2, %add3A_70 : i32
    %sub3A_72 = arith.subi %add3A_71, %mul3A_2 : i32
    %dma_wait3A_73 = tpu.memref_slice %arg5[%sub3A_72] : memref<25600xi32, #tpu.memory_space<vmem>> -> memref<32xi32, #tpu.memory_space<vmem>>
    %dma_wait3A_74 = arith.constant 0 : i32
    %dma_wait3A_75 = arith.constant 0 : i32
    %dma_wait3A_76 = tpu.memref_slice %arg10[%dma_wait3A_74, %dma_wait3A_75] : memref<2x128xf32, #tpu.memory_space<vmem_shared>> -> memref<2x128xf32, #tpu.memory_space<vmem_shared>>
    tpu.wait_indirect_dma semaphore(%arg11 : memref<!tpu.dma_semaphore, #tpu.memory_space<semaphore_mem>>) src(%dma_wait3A_76 : memref<2x128xf32, #tpu.memory_space<vmem_shared>>) dst(%arg9 : memref<32x128xf32, #tpu.memory_space<vmem>>)
    %add3A_77 = arith.constant 25568 : i32
    %add3A_78 = arith.addi %mul3A_2, %add3A_77 : i32
    %dma_start3A_79 = arith.constant 0 : i32
    %dma_start3A_80 = tpu.memref_slice %arg4[%add3A_78, %dma_start3A_79] : memref<819200x128xf32, #tpu.memory_space<hbm>> -> memref<32x128xf32, #tpu.memory_space<hbm>>
    %dma_start3A_81 = arith.constant 0 : i32
    %dma_start3A_82 = tpu.memref_slice %arg4[%add3A_78, %dma_start3A_81] : memref<819200x128xf32, #tpu.memory_space<hbm>> -> memref<32x128xf32, #tpu.memory_space<hbm>>
    tpu.enqueue_dma source(%arg9 : memref<32x128xf32, #tpu.memory_space<vmem>>) target(%dma_start3A_82 : memref<32x128xf32, #tpu.memory_space<hbm>>) target_semaphore(%arg15 : memref<!tpu.dma_semaphore, #tpu.memory_space<semaphore_mem>>)
    %add3A_83 = arith.constant 25472 : i32
    %add3A_84 = arith.addi %mul3A_2, %add3A_83 : i32
    %dma_wait3A_85 = arith.constant 0 : i32
    %dma_wait3A_86 = tpu.memref_slice %arg4[%add3A_84, %dma_wait3A_85] : memref<819200x128xf32, #tpu.memory_space<hbm>> -> memref<32x128xf32, #tpu.memory_space<hbm>>
    %dma_wait3A_87 = arith.constant 0 : i32
    %dma_wait3A_88 = tpu.memref_slice %arg4[%add3A_84, %dma_wait3A_87] : memref<819200x128xf32, #tpu.memory_space<hbm>> -> memref<32x128xf32, #tpu.memory_space<hbm>>
    tpu.wait_dma2 semaphore(%arg12 : memref<!tpu.dma_semaphore, #tpu.memory_space<semaphore_mem>>) src(%arg6 : memref<32x128xf32, #tpu.memory_space<vmem>>) dst(%dma_wait3A_88 : memref<32x128xf32, #tpu.memory_space<hbm>>)
    %add3A_89 = arith.constant 25504 : i32
    %add3A_90 = arith.addi %mul3A_2, %add3A_89 : i32
    %dma_wait3A_91 = arith.constant 0 : i32
    %dma_wait3A_92 = tpu.memref_slice %arg4[%add3A_90, %dma_wait3A_91] : memref<819200x128xf32, #tpu.memory_space<hbm>> -> memref<32x128xf32, #tpu.memory_space<hbm>>
    %dma_wait3A_93 = arith.constant 0 : i32
    %dma_wait3A_94 = tpu.memref_slice %arg4[%add3A_90, %dma_wait3A_93] : memref<819200x128xf32, #tpu.memory_space<hbm>> -> memref<32x128xf32, #tpu.memory_space<hbm>>
    tpu.wait_dma2 semaphore(%arg13 : memref<!tpu.dma_semaphore, #tpu.memory_space<semaphore_mem>>) src(%arg7 : memref<32x128xf32, #tpu.memory_space<vmem>>) dst(%dma_wait3A_94 : memref<32x128xf32, #tpu.memory_space<hbm>>)
    %add3A_95 = arith.constant 25536 : i32
    %add3A_96 = arith.addi %mul3A_2, %add3A_95 : i32
    %dma_wait3A_97 = arith.constant 0 : i32
    %dma_wait3A_98 = tpu.memref_slice %arg4[%add3A_96, %dma_wait3A_97] : memref<819200x128xf32, #tpu.memory_space<hbm>> -> memref<32x128xf32, #tpu.memory_space<hbm>>
    %dma_wait3A_99 = arith.constant 0 : i32
    %dma_wait3A_100 = tpu.memref_slice %arg4[%add3A_96, %dma_wait3A_99] : memref<819200x128xf32, #tpu.memory_space<hbm>> -> memref<32x128xf32, #tpu.memory_space<hbm>>
    tpu.wait_dma2 semaphore(%arg14 : memref<!tpu.dma_semaphore, #tpu.memory_space<semaphore_mem>>) src(%arg8 : memref<32x128xf32, #tpu.memory_space<vmem>>) dst(%dma_wait3A_100 : memref<32x128xf32, #tpu.memory_space<hbm>>)
    %add3A_101 = arith.constant 25568 : i32
    %add3A_102 = arith.addi %mul3A_2, %add3A_101 : i32
    %dma_wait3A_103 = arith.constant 0 : i32
    %dma_wait3A_104 = tpu.memref_slice %arg4[%add3A_102, %dma_wait3A_103] : memref<819200x128xf32, #tpu.memory_space<hbm>> -> memref<32x128xf32, #tpu.memory_space<hbm>>
    %dma_wait3A_105 = arith.constant 0 : i32
    %dma_wait3A_106 = tpu.memref_slice %arg4[%add3A_102, %dma_wait3A_105] : memref<819200x128xf32, #tpu.memory_space<hbm>> -> memref<32x128xf32, #tpu.memory_space<hbm>>
    tpu.wait_dma2 semaphore(%arg15 : memref<!tpu.dma_semaphore, #tpu.memory_space<semaphore_mem>>) src(%arg9 : memref<32x128xf32, #tpu.memory_space<vmem>>) dst(%dma_wait3A_106 : memref<32x128xf32, #tpu.memory_space<hbm>>)
    return
  }
}

</mosaic_0001>

<sc_bundles>
// kernel: kernel.3.cloned.1.call-start
scs
__scs_entry_jumppad:
0x0: {  	(pc) =	sbr.rel $0x88, $3  }
0x1: {  	(tag) =	ssettag $0x0;
	lr =	simm.s32 $0x1  }
0x2: {  	[smem:$0x3F9F] =	sst lr;
	_ =	strace $0xD0000000  }
0x3: {  	_ = 	snop  }
0x4: {  	_ = 	snop  }
0x5: {  	_ = 	snop  }
0x6: {  	_ = 	snop  }
0x7: {  	_ = 	snop  }
__scs_overlays_trampoline_lowered:
0x8: {  	[smem:$0x3FAE] =	sst s0  }
0x9: {  	[smem:$0x3FAF] =	sst s1  }
0xa: {  	[smem:$0x3FB0] =	sst s2  }
0xb: {  	[smem:$0x3FB1] =	sst s3  }
0xc: {  	[smem:$0x3FB2] =	sst s4  }
0xd: {  	[smem:$0x3FB3] =	sst s5  }
0xe: {  	[smem:$0x3FB4] =	sst s6  }
0xf: {  	[smem:$0x3FB5] =	sst s7  }
0x10: {  	[smem:$0x3FB6] =	sst s8  }
0x11: {  	[smem:$0x3FB7] =	sst s9;
	s0 =	simm.s32 @!p0 $0x0  }
0x12: {  	s1 =	sld [smem:$0x3F9D];
	s0 =	simm.s32 @p0 $0x1  }
0x13: {  	[smem:$0x3FB8] =	sst s0;
	s0 =	simm.s32 @!p1 $0x0  }
0x14: {  	s2 =	sld [smem:$0x3F9C];
	s0 =	simm.s32 @p1 $0x1  }
0x15: {  	[smem:$0x3FB9] =	sst s0;
	s0 =	simm.s32 @!p2 $0x0  }
0x16: {  	s3 =	sld [smem:$0x3FDB];
	s0 =	simm.s32 @p2 $0x1  }
0x17: {  	s4 =	simm.s32 $0x1BF5;
	[smem:$0x3FBB] =	sst s0  }
0x18: {  	s0 =	sld [smem:$0x3F9E];
	_ =	swait.ge [sflag:s4], $0x0  }
0x19: {  	s7 =	sld [smem:$0x3F9F]  }
0x1a: {  	s8 =	sadd.s32 $0xFFFFE003, lr  }
0x1b: {  	s9 =	sadd.s32 $0xFFFFFEF7, lr;
	s5 =	simm.s32 $0xFFFFFFFF;
	p2 =	slt.u32 s8, $0xFFFFF086  }
0x1c: {  	p1 =	slt.u32 s9, $0xF7A;
	s5 =	simm.s32 @!p2 $0x0  }
0x1d: {  	s5 =	simm.s32 @p1 $0x1;
	p0 =	seq.s32 s7, s2  }
0x1e: {  	s7 =	smul.u32 @!p0 $0xF7A, s2;
	p2 =	seq.s32 @!p0 s5, $0x0  }
0x1f: {  	s9 =	smul.u32 $0xF7A, s1;
	s8 =	simm.s32 @!p0 $0x1BF5;
	p2 =	por !p2, p0  }
0x20: {  	[sflag:s8] =	ssyncset.s32 @!p0 $0xFFFFF086;
	s6 =	sadd.s32 @!p0 s3, s7;
	s7 =	simm.s32 @!p0 $0x108  }
0x21: {  	s3 =	sadd.s32 s3, s9;
	s6 =	sadd.s32 @!p0 $0x88, s6;
	s7 =	simm.s32 @p2 $0x1082  }
0x22: {  	[simem:s7], [sflag:s8] =	dma.local @!p0 [hbm:s6], $0xF7A  }
0x23: {  	s9 =	sor.u32 $0xD0000000, s2;
	s6 =	simm.s32 $0x108;
	_ =	swait.ge @!p0 [sflag:s8], $0x0  }
0x24: {  	s3 =	sadd.s32 $0x88, s3;
	s6 =	simm.s32 @!p1 $0x1082;
	[sflag:s4] =	ssyncset.s32 $0xFFFFF086  }
0x25: {  	[simem:s6], [sflag:s4] =	dma.local [hbm:s3], $0xF7A  }
0x26: {  	[smem:$0x3F9F] =	sst s1;
	(tag) =	ssettag s2;
	_ =	strace s9  }
0x27: {  	s1 =	sld [smem:$0x3FAF]  }
0x28: {  	s2 =	sld [smem:$0x3FB0]  }
0x29: {  	s4 =	sld [smem:$0x3FB2]  }
0x2a: {  	p0 =	seq.s32 s5, $0x0;
	s5 =	sld [smem:$0x3FB3]  }
0x2b: {  	s6 =	sld [smem:$0x3FB4]  }
0x2c: {  	s7 =	sld [smem:$0x3FB5]  }
0x2d: {  	s3 =	simm.s32 $0x108;
	s8 =	sld [smem:$0x3FB6]  }
0x2e: {  	s3 =	simm.s32 @!p0 $0x1082;
	s9 =	sld [smem:$0x3FB7]  }
0x2f: {  	lr =	sadd.s32 s0, s3;
	s0 =	sld [smem:$0x3FAE]  }
0x30: {  	s3 =	sld [smem:$0x3FB1]  }
0x31: {  	[smem:$0x3FBA] =	sst s10  }
0x32: {  	s10 =	sld [smem:$0x3FB8];
	_ =	sdelay $0x3  }
0x33: {  	p0 =	seq.s32 s10, $0x1;
	s10 =	sld [smem:$0x3FBA];
	_ =	sdelay $0x3  }
0x34: {  	[smem:$0x3FBA] =	sst s10  }
0x35: {  	s10 =	sld [smem:$0x3FB9];
	_ =	sdelay $0x3  }
0x36: {  	p1 =	seq.s32 s10, $0x1;
	s10 =	sld [smem:$0x3FBA];
	_ =	sdelay $0x3  }
0x37: {  	[smem:$0x3FBA] =	sst s10  }
0x38: {  	s10 =	sld [smem:$0x3FBB]  }
0x39: {  	_ = 	snop;
	(pc) =	sbr.ind lr, $3  }
0x3a: {  	_ = 	snop  }
0x3b: {  	_ = 	snop  }
0x3c: {  	p2 =	seq.s32 s10, $0x1;
	s10 =	sld [smem:$0x3FBA]  }
0x3d: {  	_ =	shalt  }
0x3e: {  	_ =	shalt  }
0x3f: {  	_ =	shalt  }
0x40: {  	_ =	shalt  }
0x41: {  	_ =	shalt  }
0x42: {  	_ =	shalt  }
0x43: {  	_ =	shalt  }
0x44: {  	_ =	shalt  }
0x45: {  	_ =	shalt  }
0x46: {  	_ =	shalt  }
0x47: {  	_ =	shalt  }
0x48: {  	_ =	shalt  }
0x49: {  	_ =	shalt  }
0x4a: {  	_ =	shalt  }
0x4b: {  	_ =	shalt  }
0x4c: {  	_ =	shalt  }
0x4d: {  	_ =	shalt  }
0x4e: {  	_ =	shalt  }
0x4f: {  	_ =	shalt  }
0x50: {  	_ =	shalt  }
0x51: {  	_ =	shalt  }
0x52: {  	_ =	shalt  }
0x53: {  	_ =	shalt  }
0x54: {  	_ =	shalt  }
0x55: {  	_ =	shalt  }
0x56: {  	_ =	shalt  }
0x57: {  	_ =	shalt  }
0x58: {  	_ =	shalt  }
0x59: {  	_ =	shalt  }
0x5a: {  	_ =	shalt  }
0x5b: {  	_ =	shalt  }
0x5c: {  	_ =	shalt  }
0x5d: {  	_ =	shalt  }
0x5e: {  	_ =	shalt  }
0x5f: {  	_ =	shalt  }
0x60: {  	_ =	shalt  }
0x61: {  	_ =	shalt  }
0x62: {  	_ =	shalt  }
0x63: {  	_ =	shalt  }
0x64: {  	_ =	shalt  }
0x65: {  	_ =	shalt  }
0x66: {  	_ =	shalt  }
0x67: {  	_ =	shalt  }
0x68: {  	_ =	shalt  }
0x69: {  	_ =	shalt  }
0x6a: {  	_ =	shalt  }
0x6b: {  	_ =	shalt  }
0x6c: {  	_ =	shalt  }
0x6d: {  	_ =	shalt  }
0x6e: {  	_ =	shalt  }
0x6f: {  	_ =	shalt  }
0x70: {  	_ =	shalt  }
0x71: {  	_ =	shalt  }
0x72: {  	_ =	shalt  }
0x73: {  	_ =	shalt  }
0x74: {  	_ =	shalt  }
0x75: {  	_ =	shalt  }
0x76: {  	_ =	shalt  }
0x77: {  	_ =	shalt  }
0x78: {  	_ =	shalt  }
0x79: {  	_ =	shalt  }
0x7a: {  	_ =	shalt  }
0x7b: {  	_ =	shalt  }
0x7c: {  	_ =	shalt  }
0x7d: {  	_ =	shalt  }
0x7e: {  	_ =	shalt  }
0x7f: {  	_ =	shalt  }
0x80: {  	_ =	shalt  }
0x81: {  	_ =	shalt  }
0x82: {  	_ =	shalt  }
0x83: {  	_ =	shalt  }
0x84: {  	_ =	shalt  }
0x85: {  	_ =	shalt  }
0x86: {  	_ =	shalt  }
0x87: {  	_ =	shalt  }
.Lfunc_end0:
.L_simem_size_0:
called_computation_lowered:
.L_overlay_start_0:
0x88: {  	s2 =	sld [smem:$0x3FD9]  }
0x89: {  	s3 =	sld [smem:$0x3FFE];
	_ =	sdelay $0x1  }
0x8a: {  	s1 =	srdreg.scid  }
0x8b: {  	s0 =	sand.u32 $0x1, s1  }
0x8c: {  	s17 =	sshll.u32 s0, $0xA;
	s2 =	sadd.s32 s3, s2  }
0x8d: {  	s2 =	sadd.s32 s2, s17  }
0x8e: {  	[smem:$0x3FC6] =	sst s2  }
0x8f: {  	_ = 	snop  }
0x90: {  	s2 =	sld [smem:$0x3FC8]  }
0x91: {  	s18 =	sld [smem:$0x3FD0];
	(tm) =	ssettm $0x1  }
0x92: {  	s4 =	sld [smem:$0x3FFB];
	_ =	sdelay $0x3  }
0x93: {  	_ =	strace s4  }
0x94: {  	s4 =	sld [smem:$0x3FFC];
	_ =	sdelay $0x3  }
0x95: {  	_ =	strace s4  }
0x96: {  	s4 =	sld [smem:$0x3FFD];
	_ =	sdelay $0x3  }
0x97: {  	_ =	strace s4  }
0x98: {  	_ =	strace $0x8FFFFFFF  }
0x99: {  	s19 =	sld [smem:$0x3FDB];
	_ =	sdelay $0x1  }
0x9a: {  	s5 =	simm.s32 $_scs_section_size  }
0x9b: {  	s6 =	simm.s32 $_size__tile_overlayer_lowered;
	s7 =	simm.s32 $_tile_overlayer_lowered  }
0x9c: {  	s22 =	simm.s32 $0x1BFF;
	s21 =	sshll.u32 s7, $0x1;
	s4 =	sadd.s32 s5, s19  }
0x9d: {  	s8 =	simm.s32 $0x0;
	s20 =	sshll.u32 s6, $0x1;
	s6 =	sadd.s32 s21, s4  }
0x9e: {  	[timem:s8], [sflag:s22] =	dma.local [hbm:s6], s20  }
0x9f: {  	_ =	swait.ge [sflag:s22], s20  }
0xa0: {  	s5 =	ssub.s32 $0x0, s20;
	[sflag:s22] =	ssyncset.done $0x0  }
0xa1: {  	[sflag:s22] =	ssyncadd.s32 s5;
	_ =	sdelay $0x1  }
0xa2: {  	s23 =	simm.s32 $0x1B8B  }
0xa3: {  	_ =	swait.ge [sflag:s23], $0x1  }
0xa4: {  	[sflag:s23] =	ssyncset.done $0x0  }
0xa5: {  	s25 =	simm.s32 $0x1B8E;
	s24 =	sld [smem:$0x3FFE];
	[sflag:s23] =	ssyncadd.s32 $0xFFFFFFFF  }
0xa6: {  	s26 =	simm.s32 $execute0_lowered;
	[smem:$0x3FD2] =	sst s25  }
0xa7: {  	s6 =	sshll.u32 s26, $0x1;
	_ =	strace $0x80000046;
	[dreg:$0x1] =	wrdreg $0xFFFFFFFF  }
0xa8: {  	s28 =	simm.s32 $_size_execute0_lowered;
	s4 =	sadd.s32 s4, s6;
	[dreg:$0x0] =	wrdreg $0x0  }
0xa9: {  	s6 =	sshll.u32 s28, $0x1;
	[dreg:$0x2] =	wrdreg s4  }
0xaa: {  	[dreg:$0x3] =	wrdreg s6  }
0xab: {  	[dreg:$0x4] =	wrdreg $0xC0  }
0xac: {  	_ =	task [dreg:s8], $0x5FFFF  }
0xad: {  	[dreg:$0x1] =	wrdreg $0xFFFFFFFF  }
0xae: {  	[dreg:$0x0] =	wrdreg $0x60  }
0xaf: {  	[dreg:$0x2] =	wrdreg s2  }
0xb0: {  	[dreg:$0x3] =	wrdreg s24  }
0xb1: {  	[dreg:$0x4] =	wrdreg s18  }
0xb2: {  	[dreg:$0x5] =	wrdreg $0xA4000  }
0xb3: {  	[dreg:$0x6] =	wrdreg $0x9  }
0xb4: {  	_ =	task.clear_ibuf [dreg:s8], $0x7FFFF;
	_ =	strace $0x90000046  }
0xb5: {  	s29 =	simm.s32 $0x9;
	_ =	strace $0x80000048  }
0xb6: {  	_ =	swait.ge [sflag:s29], $0x1  }
0xb7: {  	[sflag:s29] =	ssyncadd.s32 $0xFFFFFFFF  }
0xb8: {  	_ =	strace $0x90000048  }
0xb9: {  	_ =	sfence  }
0xba: {  	s30 =	sld [smem:$0x0];
	_ =	sdelay $0x2  }
0xbb: {  	s31 =	sshll.u32 s1, $0xD;
	s1 =	sshrl.u32 s1, $0x2  }
0xbc: {  	s3 =	sand.u32 $0x4000, s31;
	s1 =	sadd.s32 s1, s30  }
0xbd: {  	s0 =	sor.u32 s3, s0;
	s1 =	sshll.u32 s1, $0x11  }
0xbe: {  	s0 =	sor.u32 s1, s0  }
0xbf: {  	s0 =	sadd.s32 $0x8F2B, s0  }
0xc0: {  	[sflag:s0] =	ssyncadd.remote.s32 $0x1  }
0xc1: {  	_ =	sfence.sel $0xFFFF  }
0xc2: {  	[dreg:$0x0] =	wrdreg $0xFFFFFFFF;
	(pc) =	sbr.abs _section_cstart, $3  }
0xc3: {  	[dreg:$0x1] =	wrdreg $0xFFFFFFFF  }
0xc4: {  	_ =	task.clear_ibuf [dreg:s8], $0x2FFFF;
	_ =	strace $0x9FFFFFFF  }
0xc5: {  	(tm) =	ssettm $0x7FFFFFFF  }
tec
execute0_lowered:
.L_overlay_start_1:
0x0: {  	(tag) =	ssettag $0x1  }
0x1: {  	s1 =	rddreg [dreg:$0x0]  }
0x2: {  	s5 =	rddreg [dreg:$0x1];
	s2 =	srdreg.scid  }
0x3: {  	s0 =	stileid.u32;
	s8 =	rddreg [dreg:$0x2]  }
0x4: {  	s3 =	rddreg [dreg:$0x3];
	s4 =	simm.s32 $0x0;
	s14 =	simm.s32 $0x6  }
0x5: {  	s15 =	simm.s32 $0x20;
	s16 =	simm.s32 $0x6400;
	s17 =	simm.s32 $0x7400  }
0x6: {  	s18 =	simm.s32 $0x1;
	s19 =	simm.s32 $0x40;
	s20 =	simm.s32 $0x8400  }
0x7: {  	s21 =	simm.s32 $0x60;
	s22 =	simm.s32 $0x9400;
	s23 =	simm.s32 $0x2  }
0x8: {  	s7 =	sand.u32 $0x1, s2;
	s24 =	sshll.u32 s0, $0x1;
	s26 =	smul.u32 $0xC8000, s0  }
0x9: {  	s28 =	simm.s32 $0x0;
	s6 =	sor.u32 s7, s24;
	s30 =	smul.u32 $0x64000, s7  }
0xa: {  	[smem:$0x7FF] =	sst s4;
	s12 =	sshll.u32 s0, $0x6;
	s9 =	smul.u32 $0x6400, s6  }
0xb: {  	_ =	strace $0x80000047;
	s25 =	ssub.s32 $0x2, s7;
	s10 =	smul.u32 $0x64000, s6  }
0xc: {  	s24 =	simm.s32 $0x3;
	s11 =	sshrl.u32 s25, $0x1;
	s13 =	smul.u32 $0x320000, s6  }
0xd: {  	s11 =	ssub.s32 s25, s11;
	s25 =	simm.s32 $0x4;
	s9 =	sshrl.u32 s9, $0x3  }
0xe: {  	s29 =	sshrl.u32 s13, $0x3;
	s7 =	sadd.s32 s8, s10;
	s11 =	smax.u32 s11, $0x1  }
0xf: {  	s13 =	sshrl.u32 s3, $0x3;
	s9 =	sadd.s32 s9, s5;
	s5 =	sor.u32 $0x1C06, s12  }
0x10: {  	s31 =	sadd.s32 s8, s29;
	s12 =	sadd.s32 s26, s8;
	s8 =	sadd.s32 $0x200, s7  }
0x11: {  	s26 =	simm.s32 $0x5;
	s6 =	sadd.s32 $0x400, s9;
	s12 =	sadd.s32 s30, s12  }
0x12: {  	s9 =	sadd.s32 $0x63C00, s31;
	s10 =	sadd.s32 $0x63E00, s31;
	s12 =	sadd.s32 $0x600, s12  }
.LBB2_1:
0x13: {  	[spmem:s13], [sflag:s5] =	dma.local [hbm:s1], $0x20  }
0x14: {  	_ =	swait.ge [sflag:s14], $0x20  }
0x15: {  	[sflag:s14] =	ssyncset.done $0x0  }
0x16: {  	[sflag:s14] =	ssyncadd.s32 $0xFFFFFFE0  }
0x17: {  	[tilespmem:s4], [sflag:$0x6] =	stream.linear.gather [hbm4b:s6+s4], $0x6400, $0x38;
	[tilespmem:$0xA410] =	vst v63  }
0x18: {  	_ =	swait.ge [sflag:s14], $0x6400  }
0x19: {  	[sflag:s14] =	ssyncset.done $0x0  }
0x1a: {  	[sflag:s14] =	ssyncadd.s32 $0xFFFF9C00  }
0x1b: {  	[tilespmem:s16], [sflag:$0x1] =	stream.indirect.gather [spmem:s3], $0x80, s4, s15, $0xb8;
	[tilespmem:$0xA410] =	vst v63  }
0x1c: {  	_ = 	snop  }
0x1d: {  	[tilespmem:s17], [sflag:$0x1] =	stream.indirect.gather [spmem:s3], $0x80, s15, s15, $0xb8;
	[tilespmem:$0xA410] =	vst v63  }
0x1e: {  	_ =	swait.ge [sflag:s18], $0x1000  }
0x1f: {  	[sflag:s18] =	ssyncset.done $0x0  }
0x20: {  	[sflag:s18] =	ssyncadd.s32 $0xFFFFF000  }
0x21: {  	[hbm4b:s7+s4] =	stream.linear.scatter [tilespmem:s16], [sflag:$0x2], $0x1000, $0x38;
	[tilespmem:$0xA410] =	vst v63  }
0x22: {  	_ = 	snop  }
0x23: {  	[tilespmem:s20], [sflag:$0x1] =	stream.indirect.gather [spmem:s3], $0x80, s19, s15, $0xb8;
	[tilespmem:$0xA410] =	vst v63  }
0x24: {  	_ =	swait.ge [sflag:s18], $0x1000  }
0x25: {  	[sflag:s18] =	ssyncset.done $0x0  }
0x26: {  	[sflag:s18] =	ssyncadd.s32 $0xFFFFF000  }
0x27: {  	[hbm4b:s8+s4] =	stream.linear.scatter [tilespmem:s17], [sflag:$0x3], $0x1000, $0x38;
	[tilespmem:$0xA410] =	vst v63  }
0x28: {  	_ = 	snop  }
0x29: {  	[tilespmem:s22], [sflag:$0x1] =	stream.indirect.gather [spmem:s3], $0x80, s21, s15, $0xb8;
	[tilespmem:$0xA410] =	vst v63  }
0x2a: {  	_ =	swait.ge [sflag:s18], $0x1000  }
0x2b: {  	[sflag:s18] =	ssyncset.done $0x0  }
0x2c: {  	s29 =	sadd.s32 $0xFFFFFE00, s12;
	[sflag:s18] =	ssyncadd.s32 $0xFFFFF000  }
0x2d: {  	[hbm4b:s29+s4] =	stream.linear.scatter [tilespmem:s20], [sflag:$0x4], $0x1000, $0x38;
	[tilespmem:$0xA410] =	vst v63  }
0x2e: {  	_ =	swait.ge [sflag:s23], $0x1000  }
0x2f: {  	[sflag:s23] =	ssyncset.done $0x0  }
0x30: {  	s29 =	simm.s32 $0x80;
	[sflag:s23] =	ssyncadd.s32 $0xFFFFF000  }
0x31: {  	[tilespmem:s16], [sflag:$0x1] =	stream.indirect.gather [spmem:s3], $0x80, s29, s15, $0xb8;
	[tilespmem:$0xA410] =	vst v63  }
0x32: {  	_ =	swait.ge [sflag:s18], $0x1000  }
0x33: {  	[sflag:s18] =	ssyncset.done $0x0  }
0x34: {  	[sflag:s18] =	ssyncadd.s32 $0xFFFFF000  }
0x35: {  	[hbm4b:s12+s4] =	stream.linear.scatter [tilespmem:s22], [sflag:$0x5], $0x1000, $0x38;
	[tilespmem:$0xA410] =	vst v63  }
0x36: {  	_ =	swait.ge [sflag:s24], $0x1000  }
0x37: {  	[sflag:s24] =	ssyncset.done $0x0  }
0x38: {  	s29 =	simm.s32 $0xA0;
	[sflag:s24] =	ssyncadd.s32 $0xFFFFF000  }
0x39: {  	[tilespmem:s17], [sflag:$0x1] =	stream.indirect.gather [spmem:s3], $0x80, s29, s15, $0xb8;
	[tilespmem:$0xA410] =	vst v63  }
0x3a: {  	_ =	swait.ge [sflag:s18], $0x1000  }
0x3b: {  	[sflag:s18] =	ssyncset.done $0x0  }
0x3c: {  	s29 =	sadd.s32 $0x200, s12;
	[sflag:s18] =	ssyncadd.s32 $0xFFFFF000  }
0x3d: {  	[hbm4b:s29+s4] =	stream.linear.scatter [tilespmem:s16], [sflag:$0x2], $0x1000, $0x38;
	[tilespmem:$0xA410] =	vst v63  }
0x3e: {  	_ =	swait.ge [sflag:s25], $0x1000  }
0x3f: {  	[sflag:s25] =	ssyncset.done $0x0  }
0x40: {  	s29 =	simm.s32 $0xC0;
	[sflag:s25] =	ssyncadd.s32 $0xFFFFF000  }
0x41: {  	[tilespmem:s20], [sflag:$0x1] =	stream.indirect.gather [spmem:s3], $0x80, s29, s15, $0xb8;
	[tilespmem:$0xA410] =	vst v63  }
0x42: {  	_ =	swait.ge [sflag:s18], $0x1000  }
0x43: {  	[sflag:s18] =	ssyncset.done $0x0  }
0x44: {  	s29 =	sadd.s32 $0x400, s12;
	[sflag:s18] =	ssyncadd.s32 $0xFFFFF000  }
0x45: {  	[hbm4b:s29+s4] =	stream.linear.scatter [tilespmem:s17], [sflag:$0x3], $0x1000, $0x38;
	[tilespmem:$0xA410] =	vst v63  }
0x46: {  	_ =	swait.ge [sflag:s26], $0x1000  }
0x47: {  	s31 =	simm.s32 $0xE0;
	[sflag:s26] =	ssyncset.done $0x0  }
0x48: {  	s30 =	sadd.s32 $0x800, s12;
	s29 =	simm.s32 $0x200;
	[sflag:s26] =	ssyncadd.s32 $0xFFFFF000  }
.LBB2_2:
0x49: {  	[tilespmem:s22], [sflag:$0x1] =	stream.indirect.gather [spmem:s3], $0x80, s31, s15, $0xb8;
	[tilespmem:$0xA410] =	vst v63  }
0x4a: {  	s31 =	smov.u32 s29  }
0x4b: {  	p0 =	sne.s32 s29, $0x18C00;
	s29 =	sadd.s32 $0x200, s29;
	_ =	swait.ge [sflag:s18], $0x1000  }
0x4c: {  	[sflag:s18] =	ssyncset.done $0x0  }
0x4d: {  	s2 =	sadd.s32 $0xFFFFFE00, s30;
	[sflag:s18] =	ssyncadd.s32 $0xFFFFF000  }
0x4e: {  	[hbm4b:s2+s4] =	stream.linear.scatter [tilespmem:s20], [sflag:$0x4], $0x1000, $0x38;
	[tilespmem:$0xA410] =	vst v63  }
0x4f: {  	_ =	swait.ge [sflag:s23], $0x1000  }
0x50: {  	s2 =	sshra.s32 s31, $0x2;
	[sflag:s23] =	ssyncset.done $0x0  }
0x51: {  	s31 =	sadd.s32 $0x80, s2;
	[sflag:s23] =	ssyncadd.s32 $0xFFFFF000  }
0x52: {  	[tilespmem:s16], [sflag:$0x1] =	stream.indirect.gather [spmem:s3], $0x80, s31, s15, $0xb8;
	[tilespmem:$0xA410] =	vst v63  }
0x53: {  	_ =	swait.ge [sflag:s18], $0x1000  }
0x54: {  	[sflag:s18] =	ssyncset.done $0x0  }
0x55: {  	[sflag:s18] =	ssyncadd.s32 $0xFFFFF000  }
0x56: {  	[hbm4b:s30+s4] =	stream.linear.scatter [tilespmem:s22], [sflag:$0x5], $0x1000, $0x38;
	[tilespmem:$0xA410] =	vst v63  }
0x57: {  	_ =	swait.ge [sflag:s24], $0x1000  }
0x58: {  	[sflag:s24] =	ssyncset.done $0x0  }
0x59: {  	s31 =	sadd.s32 $0xA0, s2;
	[sflag:s24] =	ssyncadd.s32 $0xFFFFF000  }
0x5a: {  	[tilespmem:s17], [sflag:$0x1] =	stream.indirect.gather [spmem:s3], $0x80, s31, s15, $0xb8;
	[tilespmem:$0xA410] =	vst v63  }
0x5b: {  	_ =	swait.ge [sflag:s18], $0x1000  }
0x5c: {  	[sflag:s18] =	ssyncset.done $0x0  }
0x5d: {  	s31 =	sadd.s32 $0x200, s30;
	[sflag:s18] =	ssyncadd.s32 $0xFFFFF000  }
0x5e: {  	[hbm4b:s31+s4] =	stream.linear.scatter [tilespmem:s16], [sflag:$0x2], $0x1000, $0x38;
	[tilespmem:$0xA410] =	vst v63  }
0x5f: {  	_ =	swait.ge [sflag:s25], $0x1000  }
0x60: {  	[sflag:s25] =	ssyncset.done $0x0  }
0x61: {  	s31 =	sadd.s32 $0xC0, s2;
	[sflag:s25] =	ssyncadd.s32 $0xFFFFF000  }
0x62: {  	[tilespmem:s20], [sflag:$0x1] =	stream.indirect.gather [spmem:s3], $0x80, s31, s15, $0xb8;
	[tilespmem:$0xA410] =	vst v63  }
0x63: {  	_ =	swait.ge [sflag:s18], $0x1000  }
0x64: {  	[sflag:s18] =	ssyncset.done $0x0  }
.Ltmp0:
0x65: {  	s31 =	sadd.s32 $0x400, s30;
	[sflag:s18] =	ssyncadd.s32 $0xFFFFF000;
	(pc) =	sbr.rel @p0 .LBB2_2-.Ltmp0, $4  }
0x66: {  	[hbm4b:s31+s4] =	stream.linear.scatter [tilespmem:s17], [sflag:$0x3], $0x1000, $0x38;
	[tilespmem:$0xA410] =	vst v63  }
0x67: {  	_ =	swait.ge [sflag:s26], $0x1000  }
0x68: {  	[sflag:s26] =	ssyncset.done $0x0  }
0x69: {  	s30 =	sadd.s32 $0x800, s30;
	s31 =	sadd.s32 $0xE0, s2;
	[sflag:s26] =	ssyncadd.s32 $0xFFFFF000  }
0x6a: {  	[tilespmem:s22], [sflag:$0x1] =	stream.indirect.gather [spmem:s3], $0x80, s31, s15, $0xb8;
	[tilespmem:$0xA410] =	vst v63  }
0x6b: {  	_ =	swait.ge [sflag:s18], $0x1000  }
0x6c: {  	[sflag:s18] =	ssyncset.done $0x0  }
0x6d: {  	[sflag:s18] =	ssyncadd.s32 $0xFFFFF000  }
0x6e: {  	[hbm4b:s9+s4] =	stream.linear.scatter [tilespmem:s20], [sflag:$0x4], $0x1000, $0x38;
	[tilespmem:$0xA410] =	vst v63  }
0x6f: {  	_ =	swait.ge [sflag:s18], $0x1000  }
0x70: {  	[sflag:s18] =	ssyncset.done $0x0  }
0x71: {  	[sflag:s18] =	ssyncadd.s32 $0xFFFFF000  }
0x72: {  	[hbm4b:s10+s4] =	stream.linear.scatter [tilespmem:s22], [sflag:$0x5], $0x1000, $0x38;
	[tilespmem:$0xA410] =	vst v63  }
0x73: {  	_ =	swait.ge [sflag:s23], $0x1000  }
0x74: {  	[sflag:s23] =	ssyncset.done $0x0  }
0x75: {  	[sflag:s23] =	ssyncadd.s32 $0xFFFFF000  }
0x76: {  	_ =	swait.ge [sflag:s24], $0x1000  }
0x77: {  	[sflag:s24] =	ssyncset.done $0x0  }
0x78: {  	s28 =	sadd.s32 $0x1, s28;
	[sflag:s24] =	ssyncadd.s32 $0xFFFFF000  }
0x79: {  	p0 =	sne.s32 s28, s11;
	_ =	swait.ge [sflag:s25], $0x1000  }
.Ltmp1:
0x7a: {  	[sflag:s25] =	ssyncset.done $0x0;
	(pc) =	sbr.rel @p0 .LBB2_1-.Ltmp1, $4  }
0x7b: {  	[sflag:s25] =	ssyncadd.s32 $0xFFFFF000  }
0x7c: {  	_ =	swait.ge [sflag:s26], $0x1000  }
0x7d: {  	[sflag:s26] =	ssyncset.done $0x0  }
0x7e: {  	[sflag:s26] =	ssyncadd.s32 $0xFFFFF000  }
0x7f: {  	_ =	sfence.sel $0x180000  }
0x80: {  	[bflag:$0x0] =	sbarrier.arrive $0xFFFF  }
0x81: {  	_ =	strace $0x90000047  }
0x82: {  	[bflag:$0x2] =	sbarrier.arrive $0xFFFF  }
0x83: {  	p0 =	sne.s32 s0, $0x0;
	s0 =	rddreg [dreg:$0x4]  }
0x84: {  	s0 =	sadd.s32 @!p0 $0x100000, s0  }
0x85: {  	[sflag:s0] =	ssyncadd.tile.s32 @!p0 $0x1;
	_ =	shalt  }
.Lfunc_end2:
_tile_overlayer_lowered:
.L_overlay_start_2:
0x86: {  	(tag) =	ssettag $0x2  }
0x87: {  	s0 =	rddreg [dreg:$0x0];
	s2 =	stileid.u32  }
0x88: {  	s1 =	rddreg [dreg:$0x1];
	p0 =	sne.s32 s2, $0x0  }
0x89: {  	s3 =	rddreg [dreg:$0x2];
	[bflag:$0x3] =	sbarrier.arrive $0xFFFF;
	s2 =	simm.s32 @!p0 $0x1C06  }
0x8a: {  	[timem:s3], [sflag:s2] =	dma.local @!p0 [hbm:s0], s1  }
0x8b: {  	s0 =	simm.s32 @!p0 $0x6  }
0x8c: {  	_ =	swait.ge @!p0 [sflag:s0], s1  }
0x8d: {  	s1 =	ssub.s32 @!p0 $0x0, s1;
	[sflag:s0] =	ssyncset.done @!p0 $0x0  }
0x8e: {  	[sflag:s0] =	ssyncadd.s32 @!p0 s1  }
0x8f: {  	[bflag:$0x3] =	sbarrier.arrive $0xFFFF  }
0x90: {  	_ =	shalt  }

</sc_bundles>
